<compile_context>
chip_gen: v7x
topology: tpu7x:2x2x1
jax: 0.10.2.dev20260603
libtpu: 0.0.44.dev20260713+nightly
codegen_flags: <defaults>
</compile_context>

<pallas_src>
import jax
import jax.numpy as jnp
from jax import lax
from jax.experimental import pallas as pl
from jax.experimental.pallas import tpu as pltpu
from jax.experimental.pallas import tpu_sc as plsc

VOCAB = 1000000
WORD_DIM = 128
BATCH = 4096
SEQ = 50

NC = 2
NS = 16
NW = NC * NS

B = BATCH * SEQ
B_PER_W = B // NW
CHUNK = 128
N_CHUNKS = B_PER_W // CHUNK
NBUF = 4


def _gather_body(x_hbm, table_hbm, out_hbm,
                 idx_v, buf0, buf1, buf2, buf3, g0, g1, g2, g3):
    bufs = (buf0, buf1, buf2, buf3)
    gsem = (g0, g1, g2, g3)
    wid = lax.axis_index("s") * NC + lax.axis_index("c")
    base = wid * B_PER_W
    pltpu.sync_copy(x_hbm.at[wid], idx_v)

    for b in range(NBUF - 1):
        pltpu.async_copy(table_hbm.at[idx_v.at[b]], bufs[b], gsem[b])

    def step(j, _):
        for p in range(NBUF):
            @pl.when(j % NBUF == p)
            def _(p=p):
                q = (p + NBUF - 1) % NBUF
                @pl.when(j + NBUF - 1 < N_CHUNKS)
                def _():
                    pltpu.async_copy(
                        table_hbm.at[idx_v.at[j + NBUF - 1]], bufs[q],
                        gsem[q])
                pltpu.make_async_copy(
                    table_hbm.at[idx_v.at[j]], bufs[p], gsem[p]).wait()
                pltpu.sync_copy(
                    bufs[p], out_hbm.at[pl.ds(base + j * CHUNK, CHUNK)])

        return 0

    lax.fori_loop(0, N_CHUNKS, step, 0)


@jax.jit
def _embed(x_flat, table):
    mesh = plsc.VectorSubcoreMesh(core_axis_name="c", subcore_axis_name="s")
    run = pl.kernel(
        _gather_body,
        out_type=jax.ShapeDtypeStruct((B, WORD_DIM), jnp.float32),
        mesh=mesh,
        scratch_types=[
            pltpu.VMEM((N_CHUNKS, CHUNK), jnp.int32),
            pltpu.VMEM((CHUNK, WORD_DIM), jnp.float32),
            pltpu.VMEM((CHUNK, WORD_DIM), jnp.float32),
            pltpu.VMEM((CHUNK, WORD_DIM), jnp.float32),
            pltpu.VMEM((CHUNK, WORD_DIM), jnp.float32),
            pltpu.SemaphoreType.DMA,
            pltpu.SemaphoreType.DMA,
            pltpu.SemaphoreType.DMA,
            pltpu.SemaphoreType.DMA,
        ],
    )
    return run(x_flat, table)


def kernel(x, lengths, table):
    x_flat = x.reshape(NW, N_CHUNKS, CHUNK)
    out = _embed(x_flat, table)
    emb = out.reshape(BATCH, SEQ, WORD_DIM)
    return (emb, lengths, emb)

# --- scband reference (transcript-rebuilt; emitter-appended) ---
"""Pipeline reference for scband-word-embedding-38448547234374 (READ-ONLY COPY).

The authoritative reference and input builder live on the scoring server;
editing this copy changes nothing except your own understanding.
"""

import jax, jax.numpy as jnp
import numpy as np

VOCAB = 1000000
WORD_DIM = 128
BATCH = 4096
SEQ = 50

def setup_inputs(seed: int = 0) -> dict:
    key = jax.random.key(seed)
    k1, k2, k3 = jax.random.split(key, 3)
    x = jax.random.randint(k1, (BATCH, SEQ), 0, VOCAB, dtype=jnp.int64 if jax.config.jax_enable_x64 else jnp.int32)
    lengths = jax.random.randint(k2, (BATCH,), 0, SEQ, dtype=jnp.int64 if jax.config.jax_enable_x64 else jnp.int32)
    # Embedding table initialized uniform(-0.1, 0.1) per init_weights()
    table = jax.random.uniform(k3, (VOCAB, WORD_DIM), dtype=jnp.float32, minval=-0.1, maxval=0.1)
    return {"x": x, "lengths": lengths, "table": table}

def reference(x, lengths, table):
    # WordEmbedding.forward: x = self.embed(x); return (cap_emb, cap_len, x)
    emb = jnp.take(table, x, axis=0)
    cap_emb = emb
    cap_len = lengths
    return (cap_emb, cap_len, emb)

if __name__ == "__main__":
    import jax
    _d = setup_inputs()
    print(jax.jit(kernel)(*tuple(_d.values())))

</pallas_src>

<mosaic_0001>
#map = affine_map<(d0, d1) -> (0, 0, 0)>
#map1 = affine_map<(d0, d1) -> (0, 0)>
module attributes {stable_mosaic.version = 14 : i64} {
  func.func @_gather_body(%arg0: i32, %arg1: i32, %arg2: memref<32x50x128xi32, #tpu.memory_space<hbm>>, %arg3: memref<1000000x128xf32, #tpu.memory_space<hbm>>, %arg4: memref<204800x128xf32, #tpu.memory_space<hbm>>, %arg5: memref<50x128xi32, #tpu.memory_space<vmem>>, %arg6: memref<128x128xf32, #tpu.memory_space<vmem>>, %arg7: memref<128x128xf32, #tpu.memory_space<vmem>>, %arg8: memref<128x128xf32, #tpu.memory_space<vmem>>, %arg9: memref<128x128xf32, #tpu.memory_space<vmem>>, %arg10: memref<!tpu.dma_semaphore, #tpu.memory_space<semaphore_mem>>, %arg11: memref<!tpu.dma_semaphore, #tpu.memory_space<semaphore_mem>>, %arg12: memref<!tpu.dma_semaphore, #tpu.memory_space<semaphore_mem>>, %arg13: memref<!tpu.dma_semaphore, #tpu.memory_space<semaphore_mem>>) attributes {dimension_semantics = [#tpu.dimension_semantics<core_parallel>, #tpu.dimension_semantics<subcore_parallel>], iteration_bounds = array<i64: 2, 16>, scalar_prefetch = 0 : i64, scratch_operands = 9 : i64, tpu.core_type = #tpu.core_type<sc_vector_subcore>, window_params = [{transform_indices = #map}, {transform_indices = #map1}, {transform_indices = #map1}]} {
    %mul3A = arith.constant 2 : i32
    %mul3A_0 = arith.muli %arg1, %mul3A : i32
    %add3A = arith.addi %mul3A_0, %arg0 : i32
    %mul3A_1 = arith.constant 6400 : i32
    %mul3A_2 = arith.muli %add3A, %mul3A_1 : i32
    "tpu.region"() ({
      %run_scoped3A = tpu.sem_alloc : memref<!tpu.dma_semaphore, #tpu.memory_space<semaphore_mem>>
      %dma_start3A_29 = arith.constant 0 : i32
      %dma_start3A_30 = arith.constant 0 : i32
      %dma_start3A_31 = tpu.memref_slice %arg2[%add3A, %dma_start3A_29, %dma_start3A_30] : memref<32x50x128xi32, #tpu.memory_space<hbm>> -> memref<1x50x128xi32, #tpu.memory_space<hbm>>
      %dma_start3A_32 = tpu.memref_squeeze %dma_start3A_31 : memref<1x50x128xi32, #tpu.memory_space<hbm>> -> memref<50x128xi32, #tpu.memory_space<hbm>>
      %dma_start3A_33 = arith.constant 0 : i32
      %dma_start3A_34 = arith.constant 0 : i32
      %dma_start3A_35 = tpu.memref_slice %arg2[%add3A, %dma_start3A_33, %dma_start3A_34] : memref<32x50x128xi32, #tpu.memory_space<hbm>> -> memref<1x50x128xi32, #tpu.memory_space<hbm>>
      %dma_start3A_36 = tpu.memref_squeeze %dma_start3A_35 : memref<1x50x128xi32, #tpu.memory_space<hbm>> -> memref<50x128xi32, #tpu.memory_space<hbm>>
      tpu.enqueue_dma source(%dma_start3A_36 : memref<50x128xi32, #tpu.memory_space<hbm>>) target(%arg5 : memref<50x128xi32, #tpu.memory_space<vmem>>) target_semaphore(%run_scoped3A : memref<!tpu.dma_semaphore, #tpu.memory_space<semaphore_mem>>)
      %dma_wait3A = arith.constant 0 : i32
      %dma_wait3A_37 = arith.constant 0 : i32
      %dma_wait3A_38 = tpu.memref_slice %arg2[%add3A, %dma_wait3A, %dma_wait3A_37] : memref<32x50x128xi32, #tpu.memory_space<hbm>> -> memref<1x50x128xi32, #tpu.memory_space<hbm>>
      %dma_wait3A_39 = tpu.memref_squeeze %dma_wait3A_38 : memref<1x50x128xi32, #tpu.memory_space<hbm>> -> memref<50x128xi32, #tpu.memory_space<hbm>>
      %dma_wait3A_40 = arith.constant 0 : i32
      %dma_wait3A_41 = arith.constant 0 : i32
      %dma_wait3A_42 = tpu.memref_slice %arg2[%add3A, %dma_wait3A_40, %dma_wait3A_41] : memref<32x50x128xi32, #tpu.memory_space<hbm>> -> memref<1x50x128xi32, #tpu.memory_space<hbm>>
      %dma_wait3A_43 = tpu.memref_squeeze %dma_wait3A_42 : memref<1x50x128xi32, #tpu.memory_space<hbm>> -> memref<50x128xi32, #tpu.memory_space<hbm>>
      tpu.wait_dma2 semaphore(%run_scoped3A : memref<!tpu.dma_semaphore, #tpu.memory_space<semaphore_mem>>) src(%dma_wait3A_43 : memref<50x128xi32, #tpu.memory_space<hbm>>) dst(%arg5 : memref<50x128xi32, #tpu.memory_space<vmem>>)
      tpu.yield
    }) : () -> ()
    %dma_start3A = arith.constant 0 : i32
    %dma_start3A_3 = arith.constant 0 : i32
    %dma_start3A_4 = tpu.memref_slice %arg5[%dma_start3A, %dma_start3A_3] : memref<50x128xi32, #tpu.memory_space<vmem>> -> memref<1x128xi32, #tpu.memory_space<vmem>>
    %dma_start3A_5 = tpu.memref_squeeze %dma_start3A_4 : memref<1x128xi32, #tpu.memory_space<vmem>> -> memref<128xi32, #tpu.memory_space<vmem>>
    %dma_start3A_6 = arith.constant 0 : i32
    %dma_start3A_7 = arith.constant 0 : i32
    %dma_start3A_8 = tpu.memref_slice %arg3[%dma_start3A_6, %dma_start3A_7] : memref<1000000x128xf32, #tpu.memory_space<hbm>> -> memref<1000000x128xf32, #tpu.memory_space<hbm>>
    tpu.enqueue_indirect_dma source(%dma_start3A_8 : memref<1000000x128xf32, #tpu.memory_space<hbm>>) target(%arg6 : memref<128x128xf32, #tpu.memory_space<vmem>>) offsets(%dma_start3A_5 : memref<128xi32, #tpu.memory_space<vmem>>) semaphore(%arg10 : memref<!tpu.dma_semaphore, #tpu.memory_space<semaphore_mem>>)
    %dma_start3A_9 = arith.constant 1 : i32
    %dma_start3A_10 = arith.constant 0 : i32
    %dma_start3A_11 = tpu.memref_slice %arg5[%dma_start3A_9, %dma_start3A_10] : memref<50x128xi32, #tpu.memory_space<vmem>> -> memref<1x128xi32, #tpu.memory_space<vmem>>
    %dma_start3A_12 = tpu.memref_squeeze %dma_start3A_11 : memref<1x128xi32, #tpu.memory_space<vmem>> -> memref<128xi32, #tpu.memory_space<vmem>>
    %dma_start3A_13 = arith.constant 0 : i32
    %dma_start3A_14 = arith.constant 0 : i32
    %dma_start3A_15 = tpu.memref_slice %arg3[%dma_start3A_13, %dma_start3A_14] : memref<1000000x128xf32, #tpu.memory_space<hbm>> -> memref<1000000x128xf32, #tpu.memory_space<hbm>>
    tpu.enqueue_indirect_dma source(%dma_start3A_15 : memref<1000000x128xf32, #tpu.memory_space<hbm>>) target(%arg7 : memref<128x128xf32, #tpu.memory_space<vmem>>) offsets(%dma_start3A_12 : memref<128xi32, #tpu.memory_space<vmem>>) semaphore(%arg11 : memref<!tpu.dma_semaphore, #tpu.memory_space<semaphore_mem>>)
    %dma_start3A_16 = arith.constant 2 : i32
    %dma_start3A_17 = arith.constant 0 : i32
    %dma_start3A_18 = tpu.memref_slice %arg5[%dma_start3A_16, %dma_start3A_17] : memref<50x128xi32, #tpu.memory_space<vmem>> -> memref<1x128xi32, #tpu.memory_space<vmem>>
    %dma_start3A_19 = tpu.memref_squeeze %dma_start3A_18 : memref<1x128xi32, #tpu.memory_space<vmem>> -> memref<128xi32, #tpu.memory_space<vmem>>
    %dma_start3A_20 = arith.constant 0 : i32
    %dma_start3A_21 = arith.constant 0 : i32
    %dma_start3A_22 = tpu.memref_slice %arg3[%dma_start3A_20, %dma_start3A_21] : memref<1000000x128xf32, #tpu.memory_space<hbm>> -> memref<1000000x128xf32, #tpu.memory_space<hbm>>
    tpu.enqueue_indirect_dma source(%dma_start3A_22 : memref<1000000x128xf32, #tpu.memory_space<hbm>>) target(%arg8 : memref<128x128xf32, #tpu.memory_space<vmem>>) offsets(%dma_start3A_19 : memref<128xi32, #tpu.memory_space<vmem>>) semaphore(%arg12 : memref<!tpu.dma_semaphore, #tpu.memory_space<semaphore_mem>>)
    %scan3A = arith.constant 0 : i32
    %scan3A_23 = arith.constant 0 : i32
    %scan3A_24 = arith.constant 50 : i32
    %scan3A_25 = arith.addi %scan3A_23, %scan3A_24 : i32
    %scan3A_26 = arith.constant 1 : i32
    %scan3A_27 = scf.for %scan3A_29 = %scan3A_23 to %scan3A_25 step %scan3A_26 iter_args(%scan3A_30 = %scan3A) -> (i32)  : i32 {
      %jit3A = arith.constant 4 : i32
      %eq3A = arith.constant 0 : i32
      %eq3A_31 = arith.cmpi eq, %jit3A, %eq3A : i32
      %jit3A_32 = arith.constant 1 : i32
      %select_n3A = arith.select %eq3A_31, %jit3A_32, %jit3A : i32
      %rem3A = arith.remsi %scan3A_29, %select_n3A : i32
      %ne3A = arith.constant 0 : i32
      %ne3A_33 = arith.cmpi ne, %rem3A, %ne3A : i32
      %lt3A = arith.constant 0 : i32
      %lt3A_34 = arith.cmpi slt, %rem3A, %lt3A : i32
      %lt3A_35 = arith.constant 0 : i32
      %lt3A_36 = arith.cmpi slt, %select_n3A, %lt3A_35 : i32
      %ne3A_37 = arith.xori %lt3A_34, %lt3A_36 : i1
      %and3A = arith.andi %ne3A_37, %ne3A_33 : i1
      %add3A_38 = arith.addi %rem3A, %select_n3A : i32
      %select_n3A_39 = arith.select %and3A, %add3A_38, %rem3A : i32
      %eq3A_40 = arith.constant 0 : i32
      %eq3A_41 = arith.cmpi eq, %select_n3A_39, %eq3A_40 : i32
      %convert_element_type3A = arith.extui %eq3A_41 : i1 to i32
      %cond3A = arith.constant 0 : i32
      %cond3A_42 = arith.cmpi ne, %convert_element_type3A, %cond3A : i32
      scf.if %cond3A_42 {
        %add3A_107 = arith.constant 4 : i32
        %add3A_108 = arith.addi %scan3A_29, %add3A_107 : i32
        %sub3A = arith.constant 1 : i32
        %sub3A_109 = arith.subi %add3A_108, %sub3A : i32
        %lt3A_110 = arith.constant 50 : i32
        %lt3A_111 = arith.cmpi slt, %sub3A_109, %lt3A_110 : i32
        %convert_element_type3A_112 = arith.extui %lt3A_111 : i1 to i32
        %cond3A_113 = arith.constant 0 : i32
        %cond3A_114 = arith.cmpi ne, %convert_element_type3A_112, %cond3A_113 : i32
        scf.if %cond3A_114 {
          %add3A_123 = arith.constant 4 : i32
          %add3A_124 = arith.addi %scan3A_29, %add3A_123 : i32
          %sub3A_125 = arith.constant 1 : i32
          %sub3A_126 = arith.subi %add3A_124, %sub3A_125 : i32
          %dma_start3A_127 = arith.constant 0 : i32
          %dma_start3A_128 = tpu.memref_slice %arg5[%sub3A_126, %dma_start3A_127] : memref<50x128xi32, #tpu.memory_space<vmem>> -> memref<1x128xi32, #tpu.memory_space<vmem>>
          %dma_start3A_129 = tpu.memref_squeeze %dma_start3A_128 : memref<1x128xi32, #tpu.memory_space<vmem>> -> memref<128xi32, #tpu.memory_space<vmem>>
          %dma_start3A_130 = arith.constant 0 : i32
          %dma_start3A_131 = arith.constant 0 : i32
          %dma_start3A_132 = tpu.memref_slice %arg3[%dma_start3A_130, %dma_start3A_131] : memref<1000000x128xf32, #tpu.memory_space<hbm>> -> memref<1000000x128xf32, #tpu.memory_space<hbm>>
          tpu.enqueue_indirect_dma source(%dma_start3A_132 : memref<1000000x128xf32, #tpu.memory_space<hbm>>) target(%arg9 : memref<128x128xf32, #tpu.memory_space<vmem>>) offsets(%dma_start3A_129 : memref<128xi32, #tpu.memory_space<vmem>>) semaphore(%arg13 : memref<!tpu.dma_semaphore, #tpu.memory_space<semaphore_mem>>)
        } else {
        }
        %dma_wait3A = arith.constant 0 : i32
        %dma_wait3A_115 = tpu.memref_slice %arg5[%scan3A_29, %dma_wait3A] : memref<50x128xi32, #tpu.memory_space<vmem>> -> memref<1x128xi32, #tpu.memory_space<vmem>>
        %dma_wait3A_116 = tpu.memref_squeeze %dma_wait3A_115 : memref<1x128xi32, #tpu.memory_space<vmem>> -> memref<128xi32, #tpu.memory_space<vmem>>
        %dma_wait3A_117 = arith.constant 0 : i32
        %dma_wait3A_118 = arith.constant 0 : i32
        %dma_wait3A_119 = tpu.memref_slice %arg3[%dma_wait3A_117, %dma_wait3A_118] : memref<1000000x128xf32, #tpu.memory_space<hbm>> -> memref<1000000x128xf32, #tpu.memory_space<hbm>>
        tpu.wait_indirect_dma semaphore(%arg10 : memref<!tpu.dma_semaphore, #tpu.memory_space<semaphore_mem>>) src(%dma_wait3A_119 : memref<1000000x128xf32, #tpu.memory_space<hbm>>) dst(%arg6 : memref<128x128xf32, #tpu.memory_space<vmem>>)
        %mul3A_120 = arith.constant 128 : i32
        %mul3A_121 = arith.muli %scan3A_29, %mul3A_120 : i32
        %add3A_122 = arith.addi %mul3A_2, %mul3A_121 : i32
        "tpu.region"() ({
          %run_scoped3A = tpu.sem_alloc : memref<!tpu.dma_semaphore, #tpu.memory_space<semaphore_mem>>
          %dma_start3A_123 = arith.constant 0 : i32
          %dma_start3A_124 = tpu.memref_slice %arg4[%add3A_122, %dma_start3A_123] : memref<204800x128xf32, #tpu.memory_space<hbm>> -> memref<128x128xf32, #tpu.memory_space<hbm>>
          %dma_start3A_125 = arith.constant 0 : i32
          %dma_start3A_126 = tpu.memref_slice %arg4[%add3A_122, %dma_start3A_125] : memref<204800x128xf32, #tpu.memory_space<hbm>> -> memref<128x128xf32, #tpu.memory_space<hbm>>
          tpu.enqueue_dma source(%arg6 : memref<128x128xf32, #tpu.memory_space<vmem>>) target(%dma_start3A_126 : memref<128x128xf32, #tpu.memory_space<hbm>>) target_semaphore(%run_scoped3A : memref<!tpu.dma_semaphore, #tpu.memory_space<semaphore_mem>>)
          %dma_wait3A_127 = arith.constant 0 : i32
          %dma_wait3A_128 = tpu.memref_slice %arg4[%add3A_122, %dma_wait3A_127] : memref<204800x128xf32, #tpu.memory_space<hbm>> -> memref<128x128xf32, #tpu.memory_space<hbm>>
          %dma_wait3A_129 = arith.constant 0 : i32
          %dma_wait3A_130 = tpu.memref_slice %arg4[%add3A_122, %dma_wait3A_129] : memref<204800x128xf32, #tpu.memory_space<hbm>> -> memref<128x128xf32, #tpu.memory_space<hbm>>
          tpu.wait_dma2 semaphore(%run_scoped3A : memref<!tpu.dma_semaphore, #tpu.memory_space<semaphore_mem>>) src(%arg6 : memref<128x128xf32, #tpu.memory_space<vmem>>) dst(%dma_wait3A_130 : memref<128x128xf32, #tpu.memory_space<hbm>>)
          tpu.yield
        }) : () -> ()
      } else {
      }
      %jit3A_43 = arith.constant 4 : i32
      %eq3A_44 = arith.constant 0 : i32
      %eq3A_45 = arith.cmpi eq, %jit3A_43, %eq3A_44 : i32
      %jit3A_46 = arith.constant 1 : i32
      %select_n3A_47 = arith.select %eq3A_45, %jit3A_46, %jit3A_43 : i32
      %rem3A_48 = arith.remsi %scan3A_29, %select_n3A_47 : i32
      %ne3A_49 = arith.constant 0 : i32
      %ne3A_50 = arith.cmpi ne, %rem3A_48, %ne3A_49 : i32
      %lt3A_51 = arith.constant 0 : i32
      %lt3A_52 = arith.cmpi slt, %rem3A_48, %lt3A_51 : i32
      %lt3A_53 = arith.constant 0 : i32
      %lt3A_54 = arith.cmpi slt, %select_n3A_47, %lt3A_53 : i32
      %ne3A_55 = arith.xori %lt3A_52, %lt3A_54 : i1
      %and3A_56 = arith.andi %ne3A_55, %ne3A_50 : i1
      %add3A_57 = arith.addi %rem3A_48, %select_n3A_47 : i32
      %select_n3A_58 = arith.select %and3A_56, %add3A_57, %rem3A_48 : i32
      %eq3A_59 = arith.constant 1 : i32
      %eq3A_60 = arith.cmpi eq, %select_n3A_58, %eq3A_59 : i32
      %convert_element_type3A_61 = arith.extui %eq3A_60 : i1 to i32
      %cond3A_62 = arith.constant 0 : i32
      %cond3A_63 = arith.cmpi ne, %convert_element_type3A_61, %cond3A_62 : i32
      scf.if %cond3A_63 {
        %add3A_107 = arith.constant 4 : i32
        %add3A_108 = arith.addi %scan3A_29, %add3A_107 : i32
        %sub3A = arith.constant 1 : i32
        %sub3A_109 = arith.subi %add3A_108, %sub3A : i32
        %lt3A_110 = arith.constant 50 : i32
        %lt3A_111 = arith.cmpi slt, %sub3A_109, %lt3A_110 : i32
        %convert_element_type3A_112 = arith.extui %lt3A_111 : i1 to i32
        %cond3A_113 = arith.constant 0 : i32
        %cond3A_114 = arith.cmpi ne, %convert_element_type3A_112, %cond3A_113 : i32
        scf.if %cond3A_114 {
          %add3A_123 = arith.constant 4 : i32
          %add3A_124 = arith.addi %scan3A_29, %add3A_123 : i32
          %sub3A_125 = arith.constant 1 : i32
          %sub3A_126 = arith.subi %add3A_124, %sub3A_125 : i32
          %dma_start3A_127 = arith.constant 0 : i32
          %dma_start3A_128 = tpu.memref_slice %arg5[%sub3A_126, %dma_start3A_127] : memref<50x128xi32, #tpu.memory_space<vmem>> -> memref<1x128xi32, #tpu.memory_space<vmem>>
          %dma_start3A_129 = tpu.memref_squeeze %dma_start3A_128 : memref<1x128xi32, #tpu.memory_space<vmem>> -> memref<128xi32, #tpu.memory_space<vmem>>
          %dma_start3A_130 = arith.constant 0 : i32
          %dma_start3A_131 = arith.constant 0 : i32
          %dma_start3A_132 = tpu.memref_slice %arg3[%dma_start3A_130, %dma_start3A_131] : memref<1000000x128xf32, #tpu.memory_space<hbm>> -> memref<1000000x128xf32, #tpu.memory_space<hbm>>
          tpu.enqueue_indirect_dma source(%dma_start3A_132 : memref<1000000x128xf32, #tpu.memory_space<hbm>>) target(%arg6 : memref<128x128xf32, #tpu.memory_space<vmem>>) offsets(%dma_start3A_129 : memref<128xi32, #tpu.memory_space<vmem>>) semaphore(%arg10 : memref<!tpu.dma_semaphore, #tpu.memory_space<semaphore_mem>>)
        } else {
        }
        %dma_wait3A = arith.constant 0 : i32
        %dma_wait3A_115 = tpu.memref_slice %arg5[%scan3A_29, %dma_wait3A] : memref<50x128xi32, #tpu.memory_space<vmem>> -> memref<1x128xi32, #tpu.memory_space<vmem>>
        %dma_wait3A_116 = tpu.memref_squeeze %dma_wait3A_115 : memref<1x128xi32, #tpu.memory_space<vmem>> -> memref<128xi32, #tpu.memory_space<vmem>>
        %dma_wait3A_117 = arith.constant 0 : i32
        %dma_wait3A_118 = arith.constant 0 : i32
        %dma_wait3A_119 = tpu.memref_slice %arg3[%dma_wait3A_117, %dma_wait3A_118] : memref<1000000x128xf32, #tpu.memory_space<hbm>> -> memref<1000000x128xf32, #tpu.memory_space<hbm>>
        tpu.wait_indirect_dma semaphore(%arg11 : memref<!tpu.dma_semaphore, #tpu.memory_space<semaphore_mem>>) src(%dma_wait3A_119 : memref<1000000x128xf32, #tpu.memory_space<hbm>>) dst(%arg7 : memref<128x128xf32, #tpu.memory_space<vmem>>)
        %mul3A_120 = arith.constant 128 : i32
        %mul3A_121 = arith.muli %scan3A_29, %mul3A_120 : i32
        %add3A_122 = arith.addi %mul3A_2, %mul3A_121 : i32
        "tpu.region"() ({
          %run_scoped3A = tpu.sem_alloc : memref<!tpu.dma_semaphore, #tpu.memory_space<semaphore_mem>>
          %dma_start3A_123 = arith.constant 0 : i32
          %dma_start3A_124 = tpu.memref_slice %arg4[%add3A_122, %dma_start3A_123] : memref<204800x128xf32, #tpu.memory_space<hbm>> -> memref<128x128xf32, #tpu.memory_space<hbm>>
          %dma_start3A_125 = arith.constant 0 : i32
          %dma_start3A_126 = tpu.memref_slice %arg4[%add3A_122, %dma_start3A_125] : memref<204800x128xf32, #tpu.memory_space<hbm>> -> memref<128x128xf32, #tpu.memory_space<hbm>>
          tpu.enqueue_dma source(%arg7 : memref<128x128xf32, #tpu.memory_space<vmem>>) target(%dma_start3A_126 : memref<128x128xf32, #tpu.memory_space<hbm>>) target_semaphore(%run_scoped3A : memref<!tpu.dma_semaphore, #tpu.memory_space<semaphore_mem>>)
          %dma_wait3A_127 = arith.constant 0 : i32
          %dma_wait3A_128 = tpu.memref_slice %arg4[%add3A_122, %dma_wait3A_127] : memref<204800x128xf32, #tpu.memory_space<hbm>> -> memref<128x128xf32, #tpu.memory_space<hbm>>
          %dma_wait3A_129 = arith.constant 0 : i32
          %dma_wait3A_130 = tpu.memref_slice %arg4[%add3A_122, %dma_wait3A_129] : memref<204800x128xf32, #tpu.memory_space<hbm>> -> memref<128x128xf32, #tpu.memory_space<hbm>>
          tpu.wait_dma2 semaphore(%run_scoped3A : memref<!tpu.dma_semaphore, #tpu.memory_space<semaphore_mem>>) src(%arg7 : memref<128x128xf32, #tpu.memory_space<vmem>>) dst(%dma_wait3A_130 : memref<128x128xf32, #tpu.memory_space<hbm>>)
          tpu.yield
        }) : () -> ()
      } else {
      }
      %jit3A_64 = arith.constant 4 : i32
      %eq3A_65 = arith.constant 0 : i32
      %eq3A_66 = arith.cmpi eq, %jit3A_64, %eq3A_65 : i32
      %jit3A_67 = arith.constant 1 : i32
      %select_n3A_68 = arith.select %eq3A_66, %jit3A_67, %jit3A_64 : i32
      %rem3A_69 = arith.remsi %scan3A_29, %select_n3A_68 : i32
      %ne3A_70 = arith.constant 0 : i32
      %ne3A_71 = arith.cmpi ne, %rem3A_69, %ne3A_70 : i32
      %lt3A_72 = arith.constant 0 : i32
      %lt3A_73 = arith.cmpi slt, %rem3A_69, %lt3A_72 : i32
      %lt3A_74 = arith.constant 0 : i32
      %lt3A_75 = arith.cmpi slt, %select_n3A_68, %lt3A_74 : i32
      %ne3A_76 = arith.xori %lt3A_73, %lt3A_75 : i1
      %and3A_77 = arith.andi %ne3A_76, %ne3A_71 : i1
      %add3A_78 = arith.addi %rem3A_69, %select_n3A_68 : i32
      %select_n3A_79 = arith.select %and3A_77, %add3A_78, %rem3A_69 : i32
      %eq3A_80 = arith.constant 2 : i32
      %eq3A_81 = arith.cmpi eq, %select_n3A_79, %eq3A_80 : i32
      %convert_element_type3A_82 = arith.extui %eq3A_81 : i1 to i32
      %cond3A_83 = arith.constant 0 : i32
      %cond3A_84 = arith.cmpi ne, %convert_element_type3A_82, %cond3A_83 : i32
      scf.if %cond3A_84 {
        %add3A_107 = arith.constant 4 : i32
        %add3A_108 = arith.addi %scan3A_29, %add3A_107 : i32
        %sub3A = arith.constant 1 : i32
        %sub3A_109 = arith.subi %add3A_108, %sub3A : i32
        %lt3A_110 = arith.constant 50 : i32
        %lt3A_111 = arith.cmpi slt, %sub3A_109, %lt3A_110 : i32
        %convert_element_type3A_112 = arith.extui %lt3A_111 : i1 to i32
        %cond3A_113 = arith.constant 0 : i32
        %cond3A_114 = arith.cmpi ne, %convert_element_type3A_112, %cond3A_113 : i32
        scf.if %cond3A_114 {
          %add3A_123 = arith.constant 4 : i32
          %add3A_124 = arith.addi %scan3A_29, %add3A_123 : i32
          %sub3A_125 = arith.constant 1 : i32
          %sub3A_126 = arith.subi %add3A_124, %sub3A_125 : i32
          %dma_start3A_127 = arith.constant 0 : i32
          %dma_start3A_128 = tpu.memref_slice %arg5[%sub3A_126, %dma_start3A_127] : memref<50x128xi32, #tpu.memory_space<vmem>> -> memref<1x128xi32, #tpu.memory_space<vmem>>
          %dma_start3A_129 = tpu.memref_squeeze %dma_start3A_128 : memref<1x128xi32, #tpu.memory_space<vmem>> -> memref<128xi32, #tpu.memory_space<vmem>>
          %dma_start3A_130 = arith.constant 0 : i32
          %dma_start3A_131 = arith.constant 0 : i32
          %dma_start3A_132 = tpu.memref_slice %arg3[%dma_start3A_130, %dma_start3A_131] : memref<1000000x128xf32, #tpu.memory_space<hbm>> -> memref<1000000x128xf32, #tpu.memory_space<hbm>>
          tpu.enqueue_indirect_dma source(%dma_start3A_132 : memref<1000000x128xf32, #tpu.memory_space<hbm>>) target(%arg7 : memref<128x128xf32, #tpu.memory_space<vmem>>) offsets(%dma_start3A_129 : memref<128xi32, #tpu.memory_space<vmem>>) semaphore(%arg11 : memref<!tpu.dma_semaphore, #tpu.memory_space<semaphore_mem>>)
        } else {
        }
        %dma_wait3A = arith.constant 0 : i32
        %dma_wait3A_115 = tpu.memref_slice %arg5[%scan3A_29, %dma_wait3A] : memref<50x128xi32, #tpu.memory_space<vmem>> -> memref<1x128xi32, #tpu.memory_space<vmem>>
        %dma_wait3A_116 = tpu.memref_squeeze %dma_wait3A_115 : memref<1x128xi32, #tpu.memory_space<vmem>> -> memref<128xi32, #tpu.memory_space<vmem>>
        %dma_wait3A_117 = arith.constant 0 : i32
        %dma_wait3A_118 = arith.constant 0 : i32
        %dma_wait3A_119 = tpu.memref_slice %arg3[%dma_wait3A_117, %dma_wait3A_118] : memref<1000000x128xf32, #tpu.memory_space<hbm>> -> memref<1000000x128xf32, #tpu.memory_space<hbm>>
        tpu.wait_indirect_dma semaphore(%arg12 : memref<!tpu.dma_semaphore, #tpu.memory_space<semaphore_mem>>) src(%dma_wait3A_119 : memref<1000000x128xf32, #tpu.memory_space<hbm>>) dst(%arg8 : memref<128x128xf32, #tpu.memory_space<vmem>>)
        %mul3A_120 = arith.constant 128 : i32
        %mul3A_121 = arith.muli %scan3A_29, %mul3A_120 : i32
        %add3A_122 = arith.addi %mul3A_2, %mul3A_121 : i32
        "tpu.region"() ({
          %run_scoped3A = tpu.sem_alloc : memref<!tpu.dma_semaphore, #tpu.memory_space<semaphore_mem>>
          %dma_start3A_123 = arith.constant 0 : i32
          %dma_start3A_124 = tpu.memref_slice %arg4[%add3A_122, %dma_start3A_123] : memref<204800x128xf32, #tpu.memory_space<hbm>> -> memref<128x128xf32, #tpu.memory_space<hbm>>
          %dma_start3A_125 = arith.constant 0 : i32
          %dma_start3A_126 = tpu.memref_slice %arg4[%add3A_122, %dma_start3A_125] : memref<204800x128xf32, #tpu.memory_space<hbm>> -> memref<128x128xf32, #tpu.memory_space<hbm>>
          tpu.enqueue_dma source(%arg8 : memref<128x128xf32, #tpu.memory_space<vmem>>) target(%dma_start3A_126 : memref<128x128xf32, #tpu.memory_space<hbm>>) target_semaphore(%run_scoped3A : memref<!tpu.dma_semaphore, #tpu.memory_space<semaphore_mem>>)
          %dma_wait3A_127 = arith.constant 0 : i32
          %dma_wait3A_128 = tpu.memref_slice %arg4[%add3A_122, %dma_wait3A_127] : memref<204800x128xf32, #tpu.memory_space<hbm>> -> memref<128x128xf32, #tpu.memory_space<hbm>>
          %dma_wait3A_129 = arith.constant 0 : i32
          %dma_wait3A_130 = tpu.memref_slice %arg4[%add3A_122, %dma_wait3A_129] : memref<204800x128xf32, #tpu.memory_space<hbm>> -> memref<128x128xf32, #tpu.memory_space<hbm>>
          tpu.wait_dma2 semaphore(%run_scoped3A : memref<!tpu.dma_semaphore, #tpu.memory_space<semaphore_mem>>) src(%arg8 : memref<128x128xf32, #tpu.memory_space<vmem>>) dst(%dma_wait3A_130 : memref<128x128xf32, #tpu.memory_space<hbm>>)
          tpu.yield
        }) : () -> ()
      } else {
      }
      %jit3A_85 = arith.constant 4 : i32
      %eq3A_86 = arith.constant 0 : i32
      %eq3A_87 = arith.cmpi eq, %jit3A_85, %eq3A_86 : i32
      %jit3A_88 = arith.constant 1 : i32
      %select_n3A_89 = arith.select %eq3A_87, %jit3A_88, %jit3A_85 : i32
      %rem3A_90 = arith.remsi %scan3A_29, %select_n3A_89 : i32
      %ne3A_91 = arith.constant 0 : i32
      %ne3A_92 = arith.cmpi ne, %rem3A_90, %ne3A_91 : i32
      %lt3A_93 = arith.constant 0 : i32
      %lt3A_94 = arith.cmpi slt, %rem3A_90, %lt3A_93 : i32
      %lt3A_95 = arith.constant 0 : i32
      %lt3A_96 = arith.cmpi slt, %select_n3A_89, %lt3A_95 : i32
      %ne3A_97 = arith.xori %lt3A_94, %lt3A_96 : i1
      %and3A_98 = arith.andi %ne3A_97, %ne3A_92 : i1
      %add3A_99 = arith.addi %rem3A_90, %select_n3A_89 : i32
      %select_n3A_100 = arith.select %and3A_98, %add3A_99, %rem3A_90 : i32
      %eq3A_101 = arith.constant 3 : i32
      %eq3A_102 = arith.cmpi eq, %select_n3A_100, %eq3A_101 : i32
      %convert_element_type3A_103 = arith.extui %eq3A_102 : i1 to i32
      %cond3A_104 = arith.constant 0 : i32
      %cond3A_105 = arith.cmpi ne, %convert_element_type3A_103, %cond3A_104 : i32
      scf.if %cond3A_105 {
        %add3A_107 = arith.constant 4 : i32
        %add3A_108 = arith.addi %scan3A_29, %add3A_107 : i32
        %sub3A = arith.constant 1 : i32
        %sub3A_109 = arith.subi %add3A_108, %sub3A : i32
        %lt3A_110 = arith.constant 50 : i32
        %lt3A_111 = arith.cmpi slt, %sub3A_109, %lt3A_110 : i32
        %convert_element_type3A_112 = arith.extui %lt3A_111 : i1 to i32
        %cond3A_113 = arith.constant 0 : i32
        %cond3A_114 = arith.cmpi ne, %convert_element_type3A_112, %cond3A_113 : i32
        scf.if %cond3A_114 {
          %add3A_123 = arith.constant 4 : i32
          %add3A_124 = arith.addi %scan3A_29, %add3A_123 : i32
          %sub3A_125 = arith.constant 1 : i32
          %sub3A_126 = arith.subi %add3A_124, %sub3A_125 : i32
          %dma_start3A_127 = arith.constant 0 : i32
          %dma_start3A_128 = tpu.memref_slice %arg5[%sub3A_126, %dma_start3A_127] : memref<50x128xi32, #tpu.memory_space<vmem>> -> memref<1x128xi32, #tpu.memory_space<vmem>>
          %dma_start3A_129 = tpu.memref_squeeze %dma_start3A_128 : memref<1x128xi32, #tpu.memory_space<vmem>> -> memref<128xi32, #tpu.memory_space<vmem>>
          %dma_start3A_130 = arith.constant 0 : i32
          %dma_start3A_131 = arith.constant 0 : i32
          %dma_start3A_132 = tpu.memref_slice %arg3[%dma_start3A_130, %dma_start3A_131] : memref<1000000x128xf32, #tpu.memory_space<hbm>> -> memref<1000000x128xf32, #tpu.memory_space<hbm>>
          tpu.enqueue_indirect_dma source(%dma_start3A_132 : memref<1000000x128xf32, #tpu.memory_space<hbm>>) target(%arg8 : memref<128x128xf32, #tpu.memory_space<vmem>>) offsets(%dma_start3A_129 : memref<128xi32, #tpu.memory_space<vmem>>) semaphore(%arg12 : memref<!tpu.dma_semaphore, #tpu.memory_space<semaphore_mem>>)
        } else {
        }
        %dma_wait3A = arith.constant 0 : i32
        %dma_wait3A_115 = tpu.memref_slice %arg5[%scan3A_29, %dma_wait3A] : memref<50x128xi32, #tpu.memory_space<vmem>> -> memref<1x128xi32, #tpu.memory_space<vmem>>
        %dma_wait3A_116 = tpu.memref_squeeze %dma_wait3A_115 : memref<1x128xi32, #tpu.memory_space<vmem>> -> memref<128xi32, #tpu.memory_space<vmem>>
        %dma_wait3A_117 = arith.constant 0 : i32
        %dma_wait3A_118 = arith.constant 0 : i32
        %dma_wait3A_119 = tpu.memref_slice %arg3[%dma_wait3A_117, %dma_wait3A_118] : memref<1000000x128xf32, #tpu.memory_space<hbm>> -> memref<1000000x128xf32, #tpu.memory_space<hbm>>
        tpu.wait_indirect_dma semaphore(%arg13 : memref<!tpu.dma_semaphore, #tpu.memory_space<semaphore_mem>>) src(%dma_wait3A_119 : memref<1000000x128xf32, #tpu.memory_space<hbm>>) dst(%arg9 : memref<128x128xf32, #tpu.memory_space<vmem>>)
        %mul3A_120 = arith.constant 128 : i32
        %mul3A_121 = arith.muli %scan3A_29, %mul3A_120 : i32
        %add3A_122 = arith.addi %mul3A_2, %mul3A_121 : i32
        "tpu.region"() ({
          %run_scoped3A = tpu.sem_alloc : memref<!tpu.dma_semaphore, #tpu.memory_space<semaphore_mem>>
          %dma_start3A_123 = arith.constant 0 : i32
          %dma_start3A_124 = tpu.memref_slice %arg4[%add3A_122, %dma_start3A_123] : memref<204800x128xf32, #tpu.memory_space<hbm>> -> memref<128x128xf32, #tpu.memory_space<hbm>>
          %dma_start3A_125 = arith.constant 0 : i32
          %dma_start3A_126 = tpu.memref_slice %arg4[%add3A_122, %dma_start3A_125] : memref<204800x128xf32, #tpu.memory_space<hbm>> -> memref<128x128xf32, #tpu.memory_space<hbm>>
          tpu.enqueue_dma source(%arg9 : memref<128x128xf32, #tpu.memory_space<vmem>>) target(%dma_start3A_126 : memref<128x128xf32, #tpu.memory_space<hbm>>) target_semaphore(%run_scoped3A : memref<!tpu.dma_semaphore, #tpu.memory_space<semaphore_mem>>)
          %dma_wait3A_127 = arith.constant 0 : i32
          %dma_wait3A_128 = tpu.memref_slice %arg4[%add3A_122, %dma_wait3A_127] : memref<204800x128xf32, #tpu.memory_space<hbm>> -> memref<128x128xf32, #tpu.memory_space<hbm>>
          %dma_wait3A_129 = arith.constant 0 : i32
          %dma_wait3A_130 = tpu.memref_slice %arg4[%add3A_122, %dma_wait3A_129] : memref<204800x128xf32, #tpu.memory_space<hbm>> -> memref<128x128xf32, #tpu.memory_space<hbm>>
          tpu.wait_dma2 semaphore(%run_scoped3A : memref<!tpu.dma_semaphore, #tpu.memory_space<semaphore_mem>>) src(%arg9 : memref<128x128xf32, #tpu.memory_space<vmem>>) dst(%dma_wait3A_130 : memref<128x128xf32, #tpu.memory_space<hbm>>)
          tpu.yield
        }) : () -> ()
      } else {
      }
      %scan3A_106 = arith.constant 0 : i32
      scf.yield %scan3A_106 : i32
    }
    %scan3A_28 = arith.constant 50 : i32
    return
  }
}

</mosaic_0001>

<sc_bundles>
// kernel: _embed.3.cloned.1.call-start
scs
__scs_entry_jumppad:
0x0: {  	(pc) =	sbr.rel $0x88, $3  }
0x1: {  	(tag) =	ssettag $0x0;
	lr =	simm.s32 $0x1  }
0x2: {  	[smem:$0x3F9F] =	sst lr;
	_ =	strace $0xD0000000  }
0x3: {  	_ = 	snop  }
0x4: {  	_ = 	snop  }
0x5: {  	_ = 	snop  }
0x6: {  	_ = 	snop  }
0x7: {  	_ = 	snop  }
__scs_overlays_trampoline_lowered:
0x8: {  	[smem:$0x3FAE] =	sst s0  }
0x9: {  	[smem:$0x3FAF] =	sst s1  }
0xa: {  	[smem:$0x3FB0] =	sst s2  }
0xb: {  	[smem:$0x3FB1] =	sst s3  }
0xc: {  	[smem:$0x3FB2] =	sst s4  }
0xd: {  	[smem:$0x3FB3] =	sst s5  }
0xe: {  	[smem:$0x3FB4] =	sst s6  }
0xf: {  	[smem:$0x3FB5] =	sst s7  }
0x10: {  	[smem:$0x3FB6] =	sst s8  }
0x11: {  	[smem:$0x3FB7] =	sst s9;
	s0 =	simm.s32 @!p0 $0x0  }
0x12: {  	s1 =	sld [smem:$0x3F9D];
	s0 =	simm.s32 @p0 $0x1  }
0x13: {  	[smem:$0x3FB8] =	sst s0;
	s0 =	simm.s32 @!p1 $0x0  }
0x14: {  	s2 =	sld [smem:$0x3F9C];
	s0 =	simm.s32 @p1 $0x1  }
0x15: {  	[smem:$0x3FB9] =	sst s0;
	s0 =	simm.s32 @!p2 $0x0  }
0x16: {  	s3 =	sld [smem:$0x3FDB];
	s0 =	simm.s32 @p2 $0x1  }
0x17: {  	s4 =	simm.s32 $0x1BF5;
	[smem:$0x3FBB] =	sst s0  }
0x18: {  	s0 =	sld [smem:$0x3F9E];
	_ =	swait.ge [sflag:s4], $0x0  }
0x19: {  	s7 =	sld [smem:$0x3F9F]  }
0x1a: {  	s8 =	sadd.s32 $0xFFFFE003, lr  }
0x1b: {  	s9 =	sadd.s32 $0xFFFFFEF7, lr;
	s5 =	simm.s32 $0xFFFFFFFF;
	p2 =	slt.u32 s8, $0xFFFFF086  }
0x1c: {  	p1 =	slt.u32 s9, $0xF7A;
	s5 =	simm.s32 @!p2 $0x0  }
0x1d: {  	s5 =	simm.s32 @p1 $0x1;
	p0 =	seq.s32 s7, s2  }
0x1e: {  	s7 =	smul.u32 @!p0 $0xF7A, s2;
	p2 =	seq.s32 @!p0 s5, $0x0  }
0x1f: {  	s9 =	smul.u32 $0xF7A, s1;
	s8 =	simm.s32 @!p0 $0x1BF5;
	p2 =	por !p2, p0  }
0x20: {  	[sflag:s8] =	ssyncset.s32 @!p0 $0xFFFFF086;
	s6 =	sadd.s32 @!p0 s3, s7;
	s7 =	simm.s32 @!p0 $0x108  }
0x21: {  	s3 =	sadd.s32 s3, s9;
	s6 =	sadd.s32 @!p0 $0x88, s6;
	s7 =	simm.s32 @p2 $0x1082  }
0x22: {  	[simem:s7], [sflag:s8] =	dma.local @!p0 [hbm:s6], $0xF7A  }
0x23: {  	s9 =	sor.u32 $0xD0000000, s2;
	s6 =	simm.s32 $0x108;
	_ =	swait.ge @!p0 [sflag:s8], $0x0  }
0x24: {  	s3 =	sadd.s32 $0x88, s3;
	s6 =	simm.s32 @!p1 $0x1082;
	[sflag:s4] =	ssyncset.s32 $0xFFFFF086  }
0x25: {  	[simem:s6], [sflag:s4] =	dma.local [hbm:s3], $0xF7A  }
0x26: {  	[smem:$0x3F9F] =	sst s1;
	(tag) =	ssettag s2;
	_ =	strace s9  }
0x27: {  	s1 =	sld [smem:$0x3FAF]  }
0x28: {  	s2 =	sld [smem:$0x3FB0]  }
0x29: {  	s4 =	sld [smem:$0x3FB2]  }
0x2a: {  	p0 =	seq.s32 s5, $0x0;
	s5 =	sld [smem:$0x3FB3]  }
0x2b: {  	s6 =	sld [smem:$0x3FB4]  }
0x2c: {  	s7 =	sld [smem:$0x3FB5]  }
0x2d: {  	s3 =	simm.s32 $0x108;
	s8 =	sld [smem:$0x3FB6]  }
0x2e: {  	s3 =	simm.s32 @!p0 $0x1082;
	s9 =	sld [smem:$0x3FB7]  }
0x2f: {  	lr =	sadd.s32 s0, s3;
	s0 =	sld [smem:$0x3FAE]  }
0x30: {  	s3 =	sld [smem:$0x3FB1]  }
0x31: {  	[smem:$0x3FBA] =	sst s10  }
0x32: {  	s10 =	sld [smem:$0x3FB8];
	_ =	sdelay $0x3  }
0x33: {  	p0 =	seq.s32 s10, $0x1;
	s10 =	sld [smem:$0x3FBA];
	_ =	sdelay $0x3  }
0x34: {  	[smem:$0x3FBA] =	sst s10  }
0x35: {  	s10 =	sld [smem:$0x3FB9];
	_ =	sdelay $0x3  }
0x36: {  	p1 =	seq.s32 s10, $0x1;
	s10 =	sld [smem:$0x3FBA];
	_ =	sdelay $0x3  }
0x37: {  	[smem:$0x3FBA] =	sst s10  }
0x38: {  	s10 =	sld [smem:$0x3FBB]  }
0x39: {  	_ = 	snop;
	(pc) =	sbr.ind lr, $3  }
0x3a: {  	_ = 	snop  }
0x3b: {  	_ = 	snop  }
0x3c: {  	p2 =	seq.s32 s10, $0x1;
	s10 =	sld [smem:$0x3FBA]  }
0x3d: {  	_ =	shalt  }
0x3e: {  	_ =	shalt  }
0x3f: {  	_ =	shalt  }
0x40: {  	_ =	shalt  }
0x41: {  	_ =	shalt  }
0x42: {  	_ =	shalt  }
0x43: {  	_ =	shalt  }
0x44: {  	_ =	shalt  }
0x45: {  	_ =	shalt  }
0x46: {  	_ =	shalt  }
0x47: {  	_ =	shalt  }
0x48: {  	_ =	shalt  }
0x49: {  	_ =	shalt  }
0x4a: {  	_ =	shalt  }
0x4b: {  	_ =	shalt  }
0x4c: {  	_ =	shalt  }
0x4d: {  	_ =	shalt  }
0x4e: {  	_ =	shalt  }
0x4f: {  	_ =	shalt  }
0x50: {  	_ =	shalt  }
0x51: {  	_ =	shalt  }
0x52: {  	_ =	shalt  }
0x53: {  	_ =	shalt  }
0x54: {  	_ =	shalt  }
0x55: {  	_ =	shalt  }
0x56: {  	_ =	shalt  }
0x57: {  	_ =	shalt  }
0x58: {  	_ =	shalt  }
0x59: {  	_ =	shalt  }
0x5a: {  	_ =	shalt  }
0x5b: {  	_ =	shalt  }
0x5c: {  	_ =	shalt  }
0x5d: {  	_ =	shalt  }
0x5e: {  	_ =	shalt  }
0x5f: {  	_ =	shalt  }
0x60: {  	_ =	shalt  }
0x61: {  	_ =	shalt  }
0x62: {  	_ =	shalt  }
0x63: {  	_ =	shalt  }
0x64: {  	_ =	shalt  }
0x65: {  	_ =	shalt  }
0x66: {  	_ =	shalt  }
0x67: {  	_ =	shalt  }
0x68: {  	_ =	shalt  }
0x69: {  	_ =	shalt  }
0x6a: {  	_ =	shalt  }
0x6b: {  	_ =	shalt  }
0x6c: {  	_ =	shalt  }
0x6d: {  	_ =	shalt  }
0x6e: {  	_ =	shalt  }
0x6f: {  	_ =	shalt  }
0x70: {  	_ =	shalt  }
0x71: {  	_ =	shalt  }
0x72: {  	_ =	shalt  }
0x73: {  	_ =	shalt  }
0x74: {  	_ =	shalt  }
0x75: {  	_ =	shalt  }
0x76: {  	_ =	shalt  }
0x77: {  	_ =	shalt  }
0x78: {  	_ =	shalt  }
0x79: {  	_ =	shalt  }
0x7a: {  	_ =	shalt  }
0x7b: {  	_ =	shalt  }
0x7c: {  	_ =	shalt  }
0x7d: {  	_ =	shalt  }
0x7e: {  	_ =	shalt  }
0x7f: {  	_ =	shalt  }
0x80: {  	_ =	shalt  }
0x81: {  	_ =	shalt  }
0x82: {  	_ =	shalt  }
0x83: {  	_ =	shalt  }
0x84: {  	_ =	shalt  }
0x85: {  	_ =	shalt  }
0x86: {  	_ =	shalt  }
0x87: {  	_ =	shalt  }
.Lfunc_end0:
.L_simem_size_0:
called_computation_lowered:
.L_overlay_start_0:
0x88: {  	s2 =	sld [smem:$0x3FD9]  }
0x89: {  	s3 =	sld [smem:$0x3FFE];
	_ =	sdelay $0x1  }
0x8a: {  	s1 =	srdreg.scid  }
0x8b: {  	s0 =	sand.u32 $0x1, s1  }
0x8c: {  	s17 =	sshll.u32 s0, $0xA;
	s2 =	sadd.s32 s3, s2  }
0x8d: {  	s2 =	sadd.s32 s2, s17  }
0x8e: {  	[smem:$0x3FC6] =	sst s2  }
0x8f: {  	_ = 	snop  }
0x90: {  	s2 =	sld [smem:$0x3FC8]  }
0x91: {  	s18 =	sld [smem:$0x3FD0];
	(tm) =	ssettm $0x1  }
0x92: {  	s4 =	sld [smem:$0x3FFB];
	_ =	sdelay $0x3  }
0x93: {  	_ =	strace s4  }
0x94: {  	s4 =	sld [smem:$0x3FFC];
	_ =	sdelay $0x3  }
0x95: {  	_ =	strace s4  }
0x96: {  	s4 =	sld [smem:$0x3FFD];
	_ =	sdelay $0x3  }
0x97: {  	_ =	strace s4  }
0x98: {  	_ =	strace $0x8FFFFFFF  }
0x99: {  	s19 =	sld [smem:$0x3FDB];
	_ =	sdelay $0x1  }
0x9a: {  	s5 =	simm.s32 $_scs_section_size  }
0x9b: {  	s6 =	simm.s32 $_size__tile_overlayer_lowered;
	s7 =	simm.s32 $_tile_overlayer_lowered  }
0x9c: {  	s22 =	simm.s32 $0x1BFF;
	s21 =	sshll.u32 s7, $0x1;
	s4 =	sadd.s32 s5, s19  }
0x9d: {  	s8 =	simm.s32 $0x0;
	s20 =	sshll.u32 s6, $0x1;
	s6 =	sadd.s32 s21, s4  }
0x9e: {  	[timem:s8], [sflag:s22] =	dma.local [hbm:s6], s20  }
0x9f: {  	_ =	swait.ge [sflag:s22], s20  }
0xa0: {  	s5 =	ssub.s32 $0x0, s20;
	[sflag:s22] =	ssyncset.done $0x0  }
0xa1: {  	[sflag:s22] =	ssyncadd.s32 s5;
	_ =	sdelay $0x1  }
0xa2: {  	s23 =	simm.s32 $0x1B8B  }
0xa3: {  	_ =	swait.ge [sflag:s23], $0x1  }
0xa4: {  	[sflag:s23] =	ssyncset.done $0x0  }
0xa5: {  	s25 =	simm.s32 $0x1B8E;
	s24 =	sld [smem:$0x3FFE];
	[sflag:s23] =	ssyncadd.s32 $0xFFFFFFFF  }
0xa6: {  	s26 =	simm.s32 $execute0_lowered;
	[smem:$0x3FD2] =	sst s25  }
0xa7: {  	s6 =	sshll.u32 s26, $0x1;
	_ =	strace $0x80000046;
	[dreg:$0x1] =	wrdreg $0xFFFFFFFF  }
0xa8: {  	s28 =	simm.s32 $_size_execute0_lowered;
	s4 =	sadd.s32 s4, s6;
	[dreg:$0x0] =	wrdreg $0x0  }
0xa9: {  	s6 =	sshll.u32 s28, $0x1;
	[dreg:$0x2] =	wrdreg s4  }
0xaa: {  	[dreg:$0x3] =	wrdreg s6  }
0xab: {  	[dreg:$0x4] =	wrdreg $0xC0  }
0xac: {  	_ =	task [dreg:s8], $0x5FFFF  }
0xad: {  	[dreg:$0x1] =	wrdreg $0xFFFFFFFF  }
0xae: {  	[dreg:$0x0] =	wrdreg $0x60  }
0xaf: {  	[dreg:$0x2] =	wrdreg s24  }
0xb0: {  	[dreg:$0x3] =	wrdreg s2  }
0xb1: {  	[dreg:$0x4] =	wrdreg s18  }
0xb2: {  	[dreg:$0x5] =	wrdreg $0x9  }
0xb3: {  	_ =	task.clear_ibuf [dreg:s8], $0x6FFFF;
	_ =	strace $0x90000046  }
0xb4: {  	s29 =	simm.s32 $0x9;
	_ =	strace $0x80000048  }
0xb5: {  	_ =	swait.ge [sflag:s29], $0x1  }
0xb6: {  	[sflag:s29] =	ssyncadd.s32 $0xFFFFFFFF  }
0xb7: {  	_ =	strace $0x90000048  }
0xb8: {  	_ =	sfence  }
0xb9: {  	s30 =	sld [smem:$0x0];
	_ =	sdelay $0x2  }
0xba: {  	s31 =	sshll.u32 s1, $0xD;
	s1 =	sshrl.u32 s1, $0x2  }
0xbb: {  	s3 =	sand.u32 $0x4000, s31;
	s1 =	sadd.s32 s1, s30  }
0xbc: {  	s0 =	sor.u32 s3, s0;
	s1 =	sshll.u32 s1, $0x11  }
0xbd: {  	s0 =	sor.u32 s1, s0  }
0xbe: {  	s0 =	sadd.s32 $0x8F2B, s0  }
0xbf: {  	[sflag:s0] =	ssyncadd.remote.s32 $0x1  }
0xc0: {  	_ =	sfence.sel $0xFFFF  }
0xc1: {  	[dreg:$0x0] =	wrdreg $0xFFFFFFFF;
	(pc) =	sbr.abs _section_cstart, $3  }
0xc2: {  	[dreg:$0x1] =	wrdreg $0xFFFFFFFF  }
0xc3: {  	_ =	task.clear_ibuf [dreg:s8], $0x2FFFF;
	_ =	strace $0x9FFFFFFF  }
0xc4: {  	(tm) =	ssettm $0x7FFFFFFF  }
0xc5: {  	_ =	shalt  }
tec
execute0_lowered:
.L_overlay_start_1:
0x0: {  	(tag) =	ssettag $0x1  }
0x1: {  	s1 =	srdreg.scid;
	s4 =	rddreg [dreg:$0x0]  }
0x2: {  	s0 =	stileid.u32;
	s2 =	rddreg [dreg:$0x1]  }
0x3: {  	s6 =	rddreg [dreg:$0x2];
	s3 =	simm.s32 $0x0;
	s10 =	simm.s32 $0x5C00  }
0x4: {  	s11 =	simm.s32 $0x100;
	s12 =	simm.s32 $0x9C00;
	s13 =	simm.s32 $0x0  }
0x5: {  	s5 =	sand.u32 $0x1, s1;
	s29 =	sshll.u32 s0, $0x1;
	s8 =	smul.u32 $0x190000, s0  }
0x6: {  	[smem:$0x7FF] =	sst s3;
	s1 =	sor.u32 s5, s29;
	s9 =	smul.u32 $0xC8000, s5  }
0x7: {  	s5 =	ssub.s32 $0x2, s5;
	s7 =	smul.u32 $0x380, s1;
	s1 =	rddreg [dreg:$0x3]  }
0x8: {  	_ =	strace $0x80000047;
	s30 =	sshrl.u32 s5, $0x1;
	s8 =	sadd.s32 s9, s8  }
0x9: {  	s5 =	ssub.s32 s5, s30;
	s9 =	simm.s32 $0x1C00;
	s4 =	sadd.s32 s7, s4  }
0xa: {  	s31 =	sshrl.u32 s8, $0x3;
	s5 =	smax.u32 s5, $0x1;
	s7 =	simm.s32 $0x5  }
0xb: {  	s8 =	simm.s32 $0x80;
	s4 =	sadd.s32 $0x400, s4;
	s6 =	sadd.s32 s31, s6  }
.LBB2_1:
0xc: {  	[tilespmem:s3], [sflag:$0x5] =	stream.linear.gather [hbm4b:s4+s3], $0x1900, $0x38;
	[tilespmem:$0x11C00] =	vst v63  }
0xd: {  	_ =	swait.ge [sflag:s7], $0x1900  }
0xe: {  	[sflag:s7] =	ssyncset.done $0x0  }
0xf: {  	[sflag:s7] =	ssyncadd.s32 $0xFFFFE700  }
0x10: {  	[tilespmem:s9], [sflag:$0x1] =	stream.indirect.gather [hbm4b:s2+s8], $0x80, s3, s8, $0xb8;
	[tilespmem:$0x11C00] =	vst v63  }
0x11: {  	_ = 	snop  }
0x12: {  	[tilespmem:s10], [sflag:$0x2] =	stream.indirect.gather [hbm4b:s2+s8], $0x80, s8, s8, $0xb8;
	[tilespmem:$0x11C00] =	vst v63  }
0x13: {  	s14 =	simm.s32 $0x180;
	s15 =	smov.u32 s6;
	s16 =	simm.s32 $0x0  }
0x14: {  	[tilespmem:s12], [sflag:$0x3] =	stream.indirect.gather [hbm4b:s2+s8], $0x80, s11, s8, $0xb8;
	[tilespmem:$0x11C00] =	vst v63  }
.LBB2_2:
0x15: {  	s17 =	sand.u32 $0x3, s16  }
0x16: {  	p0 =	sgt.s32 s17, $0x1  }
0x17: {  	p2 =	seq.s32 @p0 s17, $0x2  }
0x18: {  	p1 =	por !p2, !p0  }
0x19: {  	p3 =	sgt.u32 @!p1 s16, $0x2E  }
0x1a: {  	p3 =	por @p0 p3, !p2  }
0x1b: {  	p3 =	por p3, !p0  }
0x1c: {  	s18 =	simm.s32 @!p3 $0x80;
	s19 =	simm.s32 @!p3 $0x5C00  }
0x1d: {  	[tilespmem:s19], [sflag:$0x2] =	stream.indirect.gather @!p3 [hbm4b:s2+s18], $0x80, s14, s18, $0xb8;
	[tilespmem:$0x11C00] =	vst v63  }
0x1e: {  	s18 =	simm.s32 @!p1 $0x3;
	p3 =	por p2, !p0  }
0x1f: {  	_ =	swait.ge @!p1 [sflag:s18], $0x4000;
	p4 =	sgt.u32 @!p3 s16, $0x2E  }
0x20: {  	s19 =	simm.s32 @!p1 $0x9C00;
	[sflag:s18] =	ssyncset.done @!p1 $0x0;
	p2 =	por @p0 p4, p2  }
0x21: {  	[sflag:s18] =	ssyncadd.s32 @!p1 $0xFFFFC000;
	s18 =	simm.s32 @!p1 $0x0;
	p2 =	por p2, !p0  }
0x22: {  	[hbm4b:s15+s18] =	stream.linear.scatter @!p1 [tilespmem:s19], [sflag:$0x6], $0x4000, $0x38;
	[tilespmem:$0x11C00] =	vst v63  }
0x23: {  	s18 =	simm.s32 @!p2 $0x80;
	s19 =	simm.s32 @!p2 $0x9C00  }
0x24: {  	[tilespmem:s19], [sflag:$0x3] =	stream.indirect.gather @!p2 [hbm4b:s2+s18], $0x80, s14, s18, $0xb8;
	[tilespmem:$0x11C00] =	vst v63  }
0x25: {  	s18 =	simm.s32 @!p3 $0x4  }
0x26: {  	_ =	swait.ge @!p3 [sflag:s18], $0x4000  }
0x27: {  	p4 =	seq.s32 @!p0 s17, $0x0;
	s19 =	simm.s32 @!p3 $0xDC00;
	[sflag:s18] =	ssyncset.done @!p3 $0x0  }
0x28: {  	p2 =	por !p4, p0;
	[sflag:s18] =	ssyncadd.s32 @!p3 $0xFFFFC000;
	s18 =	simm.s32 @!p3 $0x0  }
0x29: {  	[hbm4b:s15+s18] =	stream.linear.scatter @!p3 [tilespmem:s19], [sflag:$0x5], $0x4000, $0x38;
	[tilespmem:$0x11C00] =	vst v63  }
0x2a: {  	p3 =	sgt.u32 @!p2 s16, $0x2E  }
0x2b: {  	p3 =	por @!p0 p3, !p4  }
0x2c: {  	p3 =	por p3, p0  }
0x2d: {  	s17 =	simm.s32 @!p3 $0x80;
	s18 =	simm.s32 @!p3 $0xDC00  }
0x2e: {  	[tilespmem:s18], [sflag:$0x4] =	stream.indirect.gather @!p3 [hbm4b:s2+s17], $0x80, s14, s17, $0xb8;
	[tilespmem:$0x11C00] =	vst v63  }
0x2f: {  	s17 =	simm.s32 @!p2 $0x1;
	p3 =	por p4, p0  }
0x30: {  	s19 =	simm.s32 @!p1 $0x6;
	_ =	swait.ge @!p2 [sflag:s17], $0x4000;
	p5 =	sgt.u32 @!p3 s16, $0x2E  }
0x31: {  	s18 =	simm.s32 @!p2 $0x1C00;
	p4 =	por @!p0 p5, p4;
	[sflag:s17] =	ssyncset.done @!p2 $0x0  }
0x32: {  	[sflag:s17] =	ssyncadd.s32 @!p2 $0xFFFFC000;
	s17 =	simm.s32 @!p2 $0x0;
	p4 =	por p4, p0  }
0x33: {  	[hbm4b:s15+s17] =	stream.linear.scatter @!p2 [tilespmem:s18], [sflag:$0x6], $0x4000, $0x38;
	[tilespmem:$0x11C00] =	vst v63  }
0x34: {  	s19 =	simm.s32 @p1 $0x5;
	s17 =	simm.s32 @!p4 $0x80;
	s18 =	simm.s32 @!p4 $0x1C00  }
0x35: {  	[tilespmem:s18], [sflag:$0x1] =	stream.indirect.gather @!p4 [hbm4b:s2+s17], $0x80, s14, s17, $0xb8;
	[tilespmem:$0x11C00] =	vst v63  }
0x36: {  	s20 =	simm.s32 @!p3 $0x5C00;
	s18 =	simm.s32 @!p3 $0x2;
	s17 =	simm.s32 @!p2 $0x6  }
0x37: {  	s16 =	sadd.s32 $0x1, s16;
	_ =	swait.ge @!p3 [sflag:s18], $0x4000;
	s17 =	simm.s32 @p2 $0x6  }
0x38: {  	[sflag:s18] =	ssyncset.done @!p3 $0x0;
	s17 =	smov.u32 @p0 s19;
	p0 =	sne.s32 s16, $0x32  }
.Ltmp0:
0x39: {  	[sflag:s18] =	ssyncadd.s32 @!p3 $0xFFFFC000;
	s18 =	simm.s32 @!p3 $0x0;
	(pc) =	sbr.rel @p0 .LBB2_2-.Ltmp0, $4  }
0x3a: {  	[hbm4b:s15+s18] =	stream.linear.scatter @!p3 [tilespmem:s20], [sflag:$0x6], $0x4000, $0x38;
	[tilespmem:$0x11C00] =	vst v63  }
0x3b: {  	_ =	swait.ge [sflag:s17], $0x4000  }
0x3c: {  	[sflag:s17] =	ssyncset.done $0x0  }
0x3d: {  	s14 =	sadd.s32 $0x80, s14;
	s15 =	sadd.s32 $0x800, s15;
	[sflag:s17] =	ssyncadd.s32 $0xFFFFC000  }
0x3e: {  	s13 =	sadd.s32 $0x1, s13  }
0x3f: {  	p0 =	sne.s32 s13, s5  }
.Ltmp1:
0x40: {  	_ = 	snop;
	(pc) =	sbr.rel @p0 .LBB2_1-.Ltmp1, $1  }
0x41: {  	_ =	sdelay $0x3  }
0x42: {  	_ =	sfence.sel $0x180000  }
0x43: {  	[bflag:$0x0] =	sbarrier.arrive $0xFFFF  }
0x44: {  	p0 =	sne.s32 s0, $0x0;
	_ =	strace $0x90000047  }
0x45: {  	s0 =	sadd.s32 @!p0 $0x100000, s1;
	[bflag:$0x2] =	sbarrier.arrive $0xFFFF  }
0x46: {  	[sflag:s0] =	ssyncadd.tile.s32 @!p0 $0x1;
	_ =	shalt  }
.Lfunc_end2:
_tile_overlayer_lowered:
.L_overlay_start_2:
0x47: {  	(tag) =	ssettag $0x2  }
0x48: {  	s0 =	rddreg [dreg:$0x0];
	s2 =	stileid.u32  }
0x49: {  	s1 =	rddreg [dreg:$0x1];
	p0 =	sne.s32 s2, $0x0  }
0x4a: {  	s3 =	rddreg [dreg:$0x2];
	[bflag:$0x3] =	sbarrier.arrive $0xFFFF;
	s2 =	simm.s32 @!p0 $0x1C05  }
0x4b: {  	[timem:s3], [sflag:s2] =	dma.local @!p0 [hbm:s0], s1  }
0x4c: {  	s0 =	simm.s32 @!p0 $0x5  }
0x4d: {  	_ =	swait.ge @!p0 [sflag:s0], s1  }
0x4e: {  	s1 =	ssub.s32 @!p0 $0x0, s1;
	[sflag:s0] =	ssyncset.done @!p0 $0x0  }
0x4f: {  	[sflag:s0] =	ssyncadd.s32 @!p0 s1  }
0x50: {  	[bflag:$0x3] =	sbarrier.arrive $0xFFFF  }
0x51: {  	_ =	shalt  }

</sc_bundles>
